<compile_context>
chip_gen: v7x
topology: tpu7x:2x2x1
jax: 0.10.2.dev20260603
libtpu: 0.0.44.dev20260713+nightly
codegen_flags: <defaults>
</compile_context>

<pallas_src>
import functools

import jax
import jax.numpy as jnp
import numpy as np
from jax import lax
from jax.experimental import pallas as pl
from jax.experimental.pallas import tpu as pltpu
from jax.experimental.pallas import tpu_sc as plsc

_LIPS = np.array([61, 146, 91, 181, 84, 17, 314, 405, 321, 375,
                  78, 191, 80, 81, 82, 13, 312, 311, 310, 415,
                  95, 88, 178, 87, 14, 317, 402, 318, 324, 308,
                  291, 185, 40, 39, 37, 0, 267, 269, 270, 409], dtype=np.int64)

_NFRAMES = 16384
_NLM = 543
_NC3 = 3
_FRAME_WORDS = _NLM * _NC3
_OUT_PER_FRAME = 164

_NUM_WORKERS = 32
_FRAMES_PER_WORKER = _NFRAMES // _NUM_WORKERS
_F = 32
_BLOCKS = _FRAMES_PER_WORKER // _F
_IN_WORDS = _F * _FRAME_WORDS
_OUT_WORDS = _F * _OUT_PER_FRAME
_NVEC = _OUT_WORDS // 16


def _build_gidx() -> np.ndarray:
    idx82 = np.concatenate([np.arange(468, 489), np.arange(522, 543), _LIPS])
    widx = (3 * idx82[:, None] + np.arange(2)[None, :]).reshape(-1)
    frames = np.arange(_F)[:, None] * _FRAME_WORDS
    return (frames + widx[None, :]).reshape(-1).astype(np.int32)


_GIDX = _build_gidx()


@functools.cache
def _make_sc_gather():
    @functools.partial(
        pl.kernel,
        mesh=plsc.VectorSubcoreMesh(core_axis_name="c", subcore_axis_name="s"),
        out_type=jax.ShapeDtypeStruct((_NFRAMES * _OUT_PER_FRAME,), jnp.float32),
        compiler_params=pltpu.CompilerParams(
            use_tc_tiling_on_sc=False, needs_layout_passes=False
        ),
        scratch_types=[
            pltpu.VMEM((_IN_WORDS,), jnp.float32),
            pltpu.VMEM((_OUT_WORDS,), jnp.float32),
            pltpu.VMEM((_OUT_WORDS,), jnp.int32),
        ],
    )
    def _sc_gather(fr_hbm, gidx_hbm, out_hbm, fbuf, obuf, gbuf):
        wid = lax.axis_index("s") * 2 + lax.axis_index("c")
        pltpu.sync_copy(gidx_hbm, gbuf)
        base = wid * _FRAMES_PER_WORKER

        def blk_body(b, carry):
            f0 = base + b * _F
            pltpu.sync_copy(fr_hbm.at[pl.ds(f0 * _FRAME_WORDS, _IN_WORDS)], fbuf)

            def vec_body(i, c):
                idx = gbuf[pl.ds(i * 16, 16)]
                vals = plsc.load_gather(fbuf, [idx])
                obuf[pl.ds(i * 16, 16)] = jnp.where(vals == vals, vals, 0.0)
                return c

            lax.fori_loop(0, _NVEC, vec_body, 0, unroll=4)
            pltpu.sync_copy(obuf, out_hbm.at[pl.ds(f0 * _OUT_PER_FRAME, _OUT_WORDS)])
            return carry

        lax.fori_loop(0, _BLOCKS, blk_body, 0)

    return _sc_gather


def kernel(frames):
    fr_flat = frames.reshape(-1)
    out = _make_sc_gather()(fr_flat, jnp.asarray(_GIDX))
    return out.reshape(_NFRAMES, _OUT_PER_FRAME)

# --- scband reference (transcript-rebuilt; emitter-appended) ---
"""Pipeline reference for scband-preprocess-51024211476488 (READ-ONLY COPY).

The authoritative reference and input builder live on the scoring server;
editing this copy changes nothing except your own understanding.
"""

import jax, jax.numpy as jnp
import numpy as np

# Standard MediaPipe face-mesh lips landmark indices (40 points), as used in ASL preprocessing pipelines.
LIPS_IDX = jnp.array([61, 146, 91, 181, 84, 17, 314, 405, 321, 375,
                      78, 191, 80, 81, 82, 13, 312, 311, 310, 415,
                      95, 88, 178, 87, 14, 317, 402, 318, 324, 308,
                      291, 185, 40, 39, 37, 0, 267, 269, 270, 409], dtype=jnp.int32)


def setup_inputs(seed: int = 0) -> dict:
    key = jax.random.key(seed)
    k1, k2 = jax.random.split(key)
    frames = jax.random.normal(k1, (16384, 543, 3), dtype=jnp.float32)
    # Inject NaNs (missing landmarks) like real MediaPipe output, ~10% of entries
    nan_mask = jax.random.uniform(k2, (16384, 543, 3)) < 0.1
    frames = jnp.where(nan_mask, jnp.nan, frames)
    return {"frames": frames}


def reference(frames):
    frames = frames[:, :, :2]
    lh_frames = frames[:, 468:489]
    rh_frames = frames[:, 522:]
    lips_frames = jnp.take(frames, LIPS_IDX, axis=1)
    features = jnp.concatenate([lh_frames, rh_frames, lips_frames], axis=1)
    features = jnp.where(jnp.isnan(features), jnp.zeros_like(features), features)
    features = features.reshape(features.shape[0], -1)
    return features

if __name__ == "__main__":
    import jax
    _d = setup_inputs()
    print(jax.jit(kernel)(*tuple(_d.values())))

</pallas_src>

<mosaic_0001>
#map = affine_map<(d0, d1) -> (0)>
module attributes {stable_mosaic.version = 14 : i64} {
  func.func @_sc_gather(%arg0: i32, %arg1: i32, %arg2: memref<26689536xf32, #tpu.memory_space<hbm>>, %arg3: memref<5248xi32, #tpu.memory_space<hbm>>, %arg4: memref<2686976xf32, #tpu.memory_space<hbm>>, %arg5: memref<52128xf32, #tpu.memory_space<vmem>>, %arg6: memref<5248xf32, #tpu.memory_space<vmem>>, %arg7: memref<5248xi32, #tpu.memory_space<vmem>>) attributes {dimension_semantics = [#tpu.dimension_semantics<core_parallel>, #tpu.dimension_semantics<subcore_parallel>], iteration_bounds = array<i64: 2, 16>, scalar_prefetch = 0 : i64, scratch_operands = 3 : i64, tpu.core_type = #tpu.core_type<sc_vector_subcore>, window_params = [{transform_indices = #map}, {transform_indices = #map}, {transform_indices = #map}]} {
    %mul3A = arith.constant 2 : i32
    %mul3A_0 = arith.muli %arg1, %mul3A : i32
    %add3A = arith.addi %mul3A_0, %arg0 : i32
    "tpu.region"() ({
      %run_scoped3A = tpu.sem_alloc : memref<!tpu.dma_semaphore, #tpu.memory_space<semaphore_mem>>
      tpu.enqueue_dma source(%arg3 : memref<5248xi32, #tpu.memory_space<hbm>>) target(%arg7 : memref<5248xi32, #tpu.memory_space<vmem>>) target_semaphore(%run_scoped3A : memref<!tpu.dma_semaphore, #tpu.memory_space<semaphore_mem>>)
      tpu.wait_dma2 semaphore(%run_scoped3A : memref<!tpu.dma_semaphore, #tpu.memory_space<semaphore_mem>>) src(%arg3 : memref<5248xi32, #tpu.memory_space<hbm>>) dst(%arg7 : memref<5248xi32, #tpu.memory_space<vmem>>)
      tpu.yield
    }) : () -> ()
    %mul3A_1 = arith.constant 512 : i32
    %mul3A_2 = arith.muli %add3A, %mul3A_1 : i32
    %scan3A = arith.constant 0 : i32
    %scan3A_3 = arith.constant 0 : i32
    %scan3A_4 = arith.constant 16 : i32
    %scan3A_5 = arith.addi %scan3A_3, %scan3A_4 : i32
    %scan3A_6 = arith.constant 1 : i32
    scf.for %scan3A_8 = %scan3A_3 to %scan3A_5 step %scan3A_6  : i32 {
      %mul3A_9 = arith.constant 32 : i32
      %mul3A_10 = arith.muli %scan3A_8, %mul3A_9 : i32
      %add3A_11 = arith.addi %mul3A_2, %mul3A_10 : i32
      %mul3A_12 = arith.constant 1629 : i32
      %mul3A_13 = arith.muli %add3A_11, %mul3A_12 : i32
      "tpu.region"() ({
        %run_scoped3A = tpu.sem_alloc : memref<!tpu.dma_semaphore, #tpu.memory_space<semaphore_mem>>
        %dma_start3A = tpu.memref_slice %arg2[%mul3A_13] : memref<26689536xf32, #tpu.memory_space<hbm>> -> memref<52128xf32, #tpu.memory_space<hbm>>
        %dma_start3A_22 = tpu.memref_slice %arg2[%mul3A_13] : memref<26689536xf32, #tpu.memory_space<hbm>> -> memref<52128xf32, #tpu.memory_space<hbm>>
        tpu.enqueue_dma source(%dma_start3A_22 : memref<52128xf32, #tpu.memory_space<hbm>>) target(%arg5 : memref<52128xf32, #tpu.memory_space<vmem>>) target_semaphore(%run_scoped3A : memref<!tpu.dma_semaphore, #tpu.memory_space<semaphore_mem>>)
        %dma_wait3A = tpu.memref_slice %arg2[%mul3A_13] : memref<26689536xf32, #tpu.memory_space<hbm>> -> memref<52128xf32, #tpu.memory_space<hbm>>
        %dma_wait3A_23 = tpu.memref_slice %arg2[%mul3A_13] : memref<26689536xf32, #tpu.memory_space<hbm>> -> memref<52128xf32, #tpu.memory_space<hbm>>
        tpu.wait_dma2 semaphore(%run_scoped3A : memref<!tpu.dma_semaphore, #tpu.memory_space<semaphore_mem>>) src(%dma_wait3A_23 : memref<52128xf32, #tpu.memory_space<hbm>>) dst(%arg5 : memref<52128xf32, #tpu.memory_space<vmem>>)
        tpu.yield
      }) : () -> ()
      %scan3A_14 = arith.constant 0 : i32
      %scan3A_15 = arith.constant 0 : i32
      %scan3A_16 = arith.constant 328 : i32
      %scan3A_17 = arith.addi %scan3A_15, %scan3A_16 : i32
      %scan3A_18 = arith.constant 4 : i32
      scf.for %scan3A_22 = %scan3A_15 to %scan3A_17 step %scan3A_18  : i32 {
        %mul3A_23 = arith.constant 16 : i32
        %mul3A_24 = arith.muli %scan3A_22, %mul3A_23 : i32
        %get3A = arith.index_cast %mul3A_24 : i32 to index
        %get3A_25 = tpu.vector_load %arg7[%get3A] {strides = array<i32>} : memref<5248xi32, #tpu.memory_space<vmem>>, vector<16xi32>,
        %gather3A = tpu.vector_load_idx %arg5[%get3A_25] : memref<52128xf32, #tpu.memory_space<vmem>>[vector<16xi32>], vector<16xf32>,
        %eq3A = arith.cmpf oeq, %gather3A, %gather3A : vector<16xf32>
        %jit3A = arith.constant 0.000000e+00 : f32
        %broadcast_in_dim3A = vector.broadcast %jit3A : f32 to vector<16xf32>
        %select_n3A = arith.select %eq3A, %gather3A, %broadcast_in_dim3A : vector<16xi1>, vector<16xf32>
        %mul3A_26 = arith.constant 16 : i32
        %mul3A_27 = arith.muli %scan3A_22, %mul3A_26 : i32
        %swap3A = arith.index_cast %mul3A_27 : i32 to index
        %swap3A_28 = tpu.vector_load %arg6[%swap3A] {strides = array<i32>} : memref<5248xf32, #tpu.memory_space<vmem>>, vector<16xf32>,
        tpu.vector_store %arg6[%swap3A], %select_n3A {strides = array<i32>} : memref<5248xf32, #tpu.memory_space<vmem>>, vector<16xf32>,
        %scan3A_29 = arith.constant 1 : i32
        %scan3A_30 = arith.addi %scan3A_22, %scan3A_29 : i32
        %mul3A_31 = arith.constant 16 : i32
        %mul3A_32 = arith.muli %scan3A_30, %mul3A_31 : i32
        %get3A_33 = arith.index_cast %mul3A_32 : i32 to index
        %get3A_34 = tpu.vector_load %arg7[%get3A_33] {strides = array<i32>} : memref<5248xi32, #tpu.memory_space<vmem>>, vector<16xi32>,
        %gather3A_35 = tpu.vector_load_idx %arg5[%get3A_34] : memref<52128xf32, #tpu.memory_space<vmem>>[vector<16xi32>], vector<16xf32>,
        %eq3A_36 = arith.cmpf oeq, %gather3A_35, %gather3A_35 : vector<16xf32>
        %jit3A_37 = arith.constant 0.000000e+00 : f32
        %broadcast_in_dim3A_38 = vector.broadcast %jit3A_37 : f32 to vector<16xf32>
        %select_n3A_39 = arith.select %eq3A_36, %gather3A_35, %broadcast_in_dim3A_38 : vector<16xi1>, vector<16xf32>
        %mul3A_40 = arith.constant 16 : i32
        %mul3A_41 = arith.muli %scan3A_30, %mul3A_40 : i32
        %swap3A_42 = arith.index_cast %mul3A_41 : i32 to index
        %swap3A_43 = tpu.vector_load %arg6[%swap3A_42] {strides = array<i32>} : memref<5248xf32, #tpu.memory_space<vmem>>, vector<16xf32>,
        tpu.vector_store %arg6[%swap3A_42], %select_n3A_39 {strides = array<i32>} : memref<5248xf32, #tpu.memory_space<vmem>>, vector<16xf32>,
        %scan3A_44 = arith.constant 2 : i32
        %scan3A_45 = arith.addi %scan3A_22, %scan3A_44 : i32
        %mul3A_46 = arith.constant 16 : i32
        %mul3A_47 = arith.muli %scan3A_45, %mul3A_46 : i32
        %get3A_48 = arith.index_cast %mul3A_47 : i32 to index
        %get3A_49 = tpu.vector_load %arg7[%get3A_48] {strides = array<i32>} : memref<5248xi32, #tpu.memory_space<vmem>>, vector<16xi32>,
        %gather3A_50 = tpu.vector_load_idx %arg5[%get3A_49] : memref<52128xf32, #tpu.memory_space<vmem>>[vector<16xi32>], vector<16xf32>,
        %eq3A_51 = arith.cmpf oeq, %gather3A_50, %gather3A_50 : vector<16xf32>
        %jit3A_52 = arith.constant 0.000000e+00 : f32
        %broadcast_in_dim3A_53 = vector.broadcast %jit3A_52 : f32 to vector<16xf32>
        %select_n3A_54 = arith.select %eq3A_51, %gather3A_50, %broadcast_in_dim3A_53 : vector<16xi1>, vector<16xf32>
        %mul3A_55 = arith.constant 16 : i32
        %mul3A_56 = arith.muli %scan3A_45, %mul3A_55 : i32
        %swap3A_57 = arith.index_cast %mul3A_56 : i32 to index
        %swap3A_58 = tpu.vector_load %arg6[%swap3A_57] {strides = array<i32>} : memref<5248xf32, #tpu.memory_space<vmem>>, vector<16xf32>,
        tpu.vector_store %arg6[%swap3A_57], %select_n3A_54 {strides = array<i32>} : memref<5248xf32, #tpu.memory_space<vmem>>, vector<16xf32>,
        %scan3A_59 = arith.constant 3 : i32
        %scan3A_60 = arith.addi %scan3A_22, %scan3A_59 : i32
        %mul3A_61 = arith.constant 16 : i32
        %mul3A_62 = arith.muli %scan3A_60, %mul3A_61 : i32
        %get3A_63 = arith.index_cast %mul3A_62 : i32 to index
        %get3A_64 = tpu.vector_load %arg7[%get3A_63] {strides = array<i32>} : memref<5248xi32, #tpu.memory_space<vmem>>, vector<16xi32>,
        %gather3A_65 = tpu.vector_load_idx %arg5[%get3A_64] : memref<52128xf32, #tpu.memory_space<vmem>>[vector<16xi32>], vector<16xf32>,
        %eq3A_66 = arith.cmpf oeq, %gather3A_65, %gather3A_65 : vector<16xf32>
        %jit3A_67 = arith.constant 0.000000e+00 : f32
        %broadcast_in_dim3A_68 = vector.broadcast %jit3A_67 : f32 to vector<16xf32>
        %select_n3A_69 = arith.select %eq3A_66, %gather3A_65, %broadcast_in_dim3A_68 : vector<16xi1>, vector<16xf32>
        %mul3A_70 = arith.constant 16 : i32
        %mul3A_71 = arith.muli %scan3A_60, %mul3A_70 : i32
        %swap3A_72 = arith.index_cast %mul3A_71 : i32 to index
        %swap3A_73 = tpu.vector_load %arg6[%swap3A_72] {strides = array<i32>} : memref<5248xf32, #tpu.memory_space<vmem>>, vector<16xf32>,
        tpu.vector_store %arg6[%swap3A_72], %select_n3A_69 {strides = array<i32>} : memref<5248xf32, #tpu.memory_space<vmem>>, vector<16xf32>,
      }
      %scan3A_19 = arith.constant 328 : i32
      %mul3A_20 = arith.constant 164 : i32
      %mul3A_21 = arith.muli %add3A_11, %mul3A_20 : i32
      "tpu.region"() ({
        %run_scoped3A = tpu.sem_alloc : memref<!tpu.dma_semaphore, #tpu.memory_space<semaphore_mem>>
        %dma_start3A = tpu.memref_slice %arg4[%mul3A_21] : memref<2686976xf32, #tpu.memory_space<hbm>> -> memref<5248xf32, #tpu.memory_space<hbm>>
        %dma_start3A_22 = tpu.memref_slice %arg4[%mul3A_21] : memref<2686976xf32, #tpu.memory_space<hbm>> -> memref<5248xf32, #tpu.memory_space<hbm>>
        tpu.enqueue_dma source(%arg6 : memref<5248xf32, #tpu.memory_space<vmem>>) target(%dma_start3A_22 : memref<5248xf32, #tpu.memory_space<hbm>>) target_semaphore(%run_scoped3A : memref<!tpu.dma_semaphore, #tpu.memory_space<semaphore_mem>>)
        %dma_wait3A = tpu.memref_slice %arg4[%mul3A_21] : memref<2686976xf32, #tpu.memory_space<hbm>> -> memref<5248xf32, #tpu.memory_space<hbm>>
        %dma_wait3A_23 = tpu.memref_slice %arg4[%mul3A_21] : memref<2686976xf32, #tpu.memory_space<hbm>> -> memref<5248xf32, #tpu.memory_space<hbm>>
        tpu.wait_dma2 semaphore(%run_scoped3A : memref<!tpu.dma_semaphore, #tpu.memory_space<semaphore_mem>>) src(%arg6 : memref<5248xf32, #tpu.memory_space<vmem>>) dst(%dma_wait3A_23 : memref<5248xf32, #tpu.memory_space<hbm>>)
        tpu.yield
      }) : () -> ()
    }
    %scan3A_7 = arith.constant 16 : i32
    return
  }
}

</mosaic_0001>

<sc_bundles>
// kernel: kernel.3.cloned.1.call-start
scs
__scs_entry_jumppad:
0x0: {  	(pc) =	sbr.rel $0x88, $3  }
0x1: {  	(tag) =	ssettag $0x0;
	lr =	simm.s32 $0x1  }
0x2: {  	[smem:$0x3FA0] =	sst lr;
	_ =	strace $0xD0000000  }
0x3: {  	_ = 	snop  }
0x4: {  	_ = 	snop  }
0x5: {  	_ = 	snop  }
0x6: {  	_ = 	snop  }
0x7: {  	_ = 	snop  }
__scs_overlays_trampoline_lowered:
0x8: {  	[smem:$0x3FAF] =	sst s0  }
0x9: {  	[smem:$0x3FB0] =	sst s1  }
0xa: {  	[smem:$0x3FB1] =	sst s2  }
0xb: {  	[smem:$0x3FB2] =	sst s3  }
0xc: {  	[smem:$0x3FB3] =	sst s4  }
0xd: {  	[smem:$0x3FB4] =	sst s5  }
0xe: {  	[smem:$0x3FB5] =	sst s6  }
0xf: {  	[smem:$0x3FB6] =	sst s7  }
0x10: {  	[smem:$0x3FB7] =	sst s8  }
0x11: {  	[smem:$0x3FB8] =	sst s9;
	s0 =	simm.s32 @!p0 $0x0  }
0x12: {  	s1 =	sld [smem:$0x3F9E];
	s0 =	simm.s32 @p0 $0x1  }
0x13: {  	[smem:$0x3FB9] =	sst s0;
	s0 =	simm.s32 @!p1 $0x0  }
0x14: {  	s2 =	sld [smem:$0x3F9D];
	s0 =	simm.s32 @p1 $0x1  }
0x15: {  	[smem:$0x3FBA] =	sst s0;
	s0 =	simm.s32 @!p2 $0x0  }
0x16: {  	s3 =	sld [smem:$0x3FDB];
	s0 =	simm.s32 @p2 $0x1  }
0x17: {  	s4 =	simm.s32 $0x1BF5;
	[smem:$0x3FBC] =	sst s0  }
0x18: {  	s0 =	sld [smem:$0x3F9F];
	_ =	swait.ge [sflag:s4], $0x0  }
0x19: {  	s7 =	sld [smem:$0x3FA0]  }
0x1a: {  	s8 =	sadd.s32 $0xFFFFE003, lr  }
0x1b: {  	s9 =	sadd.s32 $0xFFFFFEF7, lr;
	s5 =	simm.s32 $0xFFFFFFFF;
	p2 =	slt.u32 s8, $0xFFFFF086  }
0x1c: {  	p1 =	slt.u32 s9, $0xF7A;
	s5 =	simm.s32 @!p2 $0x0  }
0x1d: {  	s5 =	simm.s32 @p1 $0x1;
	p0 =	seq.s32 s7, s2  }
0x1e: {  	s7 =	smul.u32 @!p0 $0xF7A, s2;
	p2 =	seq.s32 @!p0 s5, $0x0  }
0x1f: {  	s9 =	smul.u32 $0xF7A, s1;
	s8 =	simm.s32 @!p0 $0x1BF5;
	p2 =	por !p2, p0  }
0x20: {  	[sflag:s8] =	ssyncset.s32 @!p0 $0xFFFFF086;
	s6 =	sadd.s32 @!p0 s3, s7;
	s7 =	simm.s32 @!p0 $0x108  }
0x21: {  	s3 =	sadd.s32 s3, s9;
	s6 =	sadd.s32 @!p0 $0x88, s6;
	s7 =	simm.s32 @p2 $0x1082  }
0x22: {  	[simem:s7], [sflag:s8] =	dma.local @!p0 [hbm:s6], $0xF7A  }
0x23: {  	s9 =	sor.u32 $0xD0000000, s2;
	s6 =	simm.s32 $0x108;
	_ =	swait.ge @!p0 [sflag:s8], $0x0  }
0x24: {  	s3 =	sadd.s32 $0x88, s3;
	s6 =	simm.s32 @!p1 $0x1082;
	[sflag:s4] =	ssyncset.s32 $0xFFFFF086  }
0x25: {  	[simem:s6], [sflag:s4] =	dma.local [hbm:s3], $0xF7A  }
0x26: {  	[smem:$0x3FA0] =	sst s1;
	(tag) =	ssettag s2;
	_ =	strace s9  }
0x27: {  	s1 =	sld [smem:$0x3FB0]  }
0x28: {  	s2 =	sld [smem:$0x3FB1]  }
0x29: {  	s4 =	sld [smem:$0x3FB3]  }
0x2a: {  	p0 =	seq.s32 s5, $0x0;
	s5 =	sld [smem:$0x3FB4]  }
0x2b: {  	s6 =	sld [smem:$0x3FB5]  }
0x2c: {  	s7 =	sld [smem:$0x3FB6]  }
0x2d: {  	s3 =	simm.s32 $0x108;
	s8 =	sld [smem:$0x3FB7]  }
0x2e: {  	s3 =	simm.s32 @!p0 $0x1082;
	s9 =	sld [smem:$0x3FB8]  }
0x2f: {  	lr =	sadd.s32 s0, s3;
	s0 =	sld [smem:$0x3FAF]  }
0x30: {  	s3 =	sld [smem:$0x3FB2]  }
0x31: {  	[smem:$0x3FBB] =	sst s10  }
0x32: {  	s10 =	sld [smem:$0x3FB9];
	_ =	sdelay $0x3  }
0x33: {  	p0 =	seq.s32 s10, $0x1;
	s10 =	sld [smem:$0x3FBB];
	_ =	sdelay $0x3  }
0x34: {  	[smem:$0x3FBB] =	sst s10  }
0x35: {  	s10 =	sld [smem:$0x3FBA];
	_ =	sdelay $0x3  }
0x36: {  	p1 =	seq.s32 s10, $0x1;
	s10 =	sld [smem:$0x3FBB];
	_ =	sdelay $0x3  }
0x37: {  	[smem:$0x3FBB] =	sst s10  }
0x38: {  	s10 =	sld [smem:$0x3FBC]  }
0x39: {  	_ = 	snop;
	(pc) =	sbr.ind lr, $3  }
0x3a: {  	_ = 	snop  }
0x3b: {  	_ = 	snop  }
0x3c: {  	p2 =	seq.s32 s10, $0x1;
	s10 =	sld [smem:$0x3FBB]  }
0x3d: {  	_ =	shalt  }
0x3e: {  	_ =	shalt  }
0x3f: {  	_ =	shalt  }
0x40: {  	_ =	shalt  }
0x41: {  	_ =	shalt  }
0x42: {  	_ =	shalt  }
0x43: {  	_ =	shalt  }
0x44: {  	_ =	shalt  }
0x45: {  	_ =	shalt  }
0x46: {  	_ =	shalt  }
0x47: {  	_ =	shalt  }
0x48: {  	_ =	shalt  }
0x49: {  	_ =	shalt  }
0x4a: {  	_ =	shalt  }
0x4b: {  	_ =	shalt  }
0x4c: {  	_ =	shalt  }
0x4d: {  	_ =	shalt  }
0x4e: {  	_ =	shalt  }
0x4f: {  	_ =	shalt  }
0x50: {  	_ =	shalt  }
0x51: {  	_ =	shalt  }
0x52: {  	_ =	shalt  }
0x53: {  	_ =	shalt  }
0x54: {  	_ =	shalt  }
0x55: {  	_ =	shalt  }
0x56: {  	_ =	shalt  }
0x57: {  	_ =	shalt  }
0x58: {  	_ =	shalt  }
0x59: {  	_ =	shalt  }
0x5a: {  	_ =	shalt  }
0x5b: {  	_ =	shalt  }
0x5c: {  	_ =	shalt  }
0x5d: {  	_ =	shalt  }
0x5e: {  	_ =	shalt  }
0x5f: {  	_ =	shalt  }
0x60: {  	_ =	shalt  }
0x61: {  	_ =	shalt  }
0x62: {  	_ =	shalt  }
0x63: {  	_ =	shalt  }
0x64: {  	_ =	shalt  }
0x65: {  	_ =	shalt  }
0x66: {  	_ =	shalt  }
0x67: {  	_ =	shalt  }
0x68: {  	_ =	shalt  }
0x69: {  	_ =	shalt  }
0x6a: {  	_ =	shalt  }
0x6b: {  	_ =	shalt  }
0x6c: {  	_ =	shalt  }
0x6d: {  	_ =	shalt  }
0x6e: {  	_ =	shalt  }
0x6f: {  	_ =	shalt  }
0x70: {  	_ =	shalt  }
0x71: {  	_ =	shalt  }
0x72: {  	_ =	shalt  }
0x73: {  	_ =	shalt  }
0x74: {  	_ =	shalt  }
0x75: {  	_ =	shalt  }
0x76: {  	_ =	shalt  }
0x77: {  	_ =	shalt  }
0x78: {  	_ =	shalt  }
0x79: {  	_ =	shalt  }
0x7a: {  	_ =	shalt  }
0x7b: {  	_ =	shalt  }
0x7c: {  	_ =	shalt  }
0x7d: {  	_ =	shalt  }
0x7e: {  	_ =	shalt  }
0x7f: {  	_ =	shalt  }
0x80: {  	_ =	shalt  }
0x81: {  	_ =	shalt  }
0x82: {  	_ =	shalt  }
0x83: {  	_ =	shalt  }
0x84: {  	_ =	shalt  }
0x85: {  	_ =	shalt  }
0x86: {  	_ =	shalt  }
0x87: {  	_ =	shalt  }
.Lfunc_end0:
.L_simem_size_0:
called_computation_lowered:
.L_overlay_start_0:
0x88: {  	s2 =	sld [smem:$0x3FD9]  }
0x89: {  	s3 =	sld [smem:$0x3FFE];
	_ =	sdelay $0x1  }
0x8a: {  	s1 =	srdreg.scid  }
0x8b: {  	s0 =	sand.u32 $0x1, s1  }
0x8c: {  	s17 =	sshll.u32 s0, $0xA;
	s2 =	sadd.s32 s3, s2  }
0x8d: {  	s2 =	sadd.s32 s2, s17  }
0x8e: {  	[smem:$0x3FC7] =	sst s2  }
0x8f: {  	_ = 	snop  }
0x90: {  	s2 =	sld [smem:$0x3FD0];
	(tm) =	ssettm $0x1  }
0x91: {  	s18 =	sld [smem:$0x3FFB];
	_ =	sdelay $0x3  }
0x92: {  	_ =	strace s18  }
0x93: {  	s3 =	sld [smem:$0x3FFC];
	_ =	sdelay $0x3  }
0x94: {  	_ =	strace s3  }
0x95: {  	s3 =	sld [smem:$0x3FFD];
	_ =	sdelay $0x3  }
0x96: {  	_ =	strace s3  }
0x97: {  	_ =	strace $0x8FFFFFFF  }
0x98: {  	s19 =	sld [smem:$0x3FDB];
	_ =	sdelay $0x1  }
0x99: {  	s4 =	simm.s32 $_scs_section_size  }
0x9a: {  	s5 =	simm.s32 $_size__tile_overlayer_lowered;
	s6 =	simm.s32 $_tile_overlayer_lowered  }
0x9b: {  	s22 =	simm.s32 $0x1BFF;
	s21 =	sshll.u32 s6, $0x1;
	s3 =	sadd.s32 s4, s19  }
0x9c: {  	s7 =	simm.s32 $0x0;
	s20 =	sshll.u32 s5, $0x1;
	s5 =	sadd.s32 s21, s3  }
0x9d: {  	[timem:s7], [sflag:s22] =	dma.local [hbm:s5], s20  }
0x9e: {  	_ =	swait.ge [sflag:s22], s20  }
0x9f: {  	s4 =	ssub.s32 $0x0, s20;
	[sflag:s22] =	ssyncset.done $0x0  }
0xa0: {  	[sflag:s22] =	ssyncadd.s32 s4;
	_ =	sdelay $0x1  }
0xa1: {  	s23 =	simm.s32 $0x1B8B  }
0xa2: {  	_ =	swait.ge [sflag:s23], $0x1  }
0xa3: {  	[sflag:s23] =	ssyncset.done $0x0  }
0xa4: {  	s25 =	simm.s32 $0x1B8E;
	s24 =	sld [smem:$0x3FFE];
	[sflag:s23] =	ssyncadd.s32 $0xFFFFFFFF  }
0xa5: {  	s26 =	simm.s32 $execute0_lowered;
	[smem:$0x3FD2] =	sst s25  }
0xa6: {  	s5 =	sshll.u32 s26, $0x1;
	_ =	strace $0x80000046;
	[dreg:$0x1] =	wrdreg $0xFFFFFFFF  }
0xa7: {  	s28 =	simm.s32 $_size_execute0_lowered;
	s3 =	sadd.s32 s3, s5;
	[dreg:$0x0] =	wrdreg $0x0  }
0xa8: {  	s5 =	sshll.u32 s28, $0x1;
	[dreg:$0x2] =	wrdreg s3  }
0xa9: {  	[dreg:$0x3] =	wrdreg s5  }
0xaa: {  	[dreg:$0x4] =	wrdreg $0xC0  }
0xab: {  	_ =	task [dreg:s7], $0x5FFFF  }
0xac: {  	[dreg:$0x1] =	wrdreg $0xFFFFFFFF  }
0xad: {  	[dreg:$0x0] =	wrdreg $0x60  }
0xae: {  	[dreg:$0x2] =	wrdreg s24  }
0xaf: {  	[dreg:$0x3] =	wrdreg s2  }
0xb0: {  	[dreg:$0x4] =	wrdreg $0x9  }
0xb1: {  	_ =	task.clear_ibuf [dreg:s7], $0x5FFFF;
	_ =	strace $0x90000046  }
0xb2: {  	s29 =	simm.s32 $0x9;
	_ =	strace $0x80000048  }
0xb3: {  	_ =	swait.ge [sflag:s29], $0x1  }
0xb4: {  	[sflag:s29] =	ssyncadd.s32 $0xFFFFFFFF  }
0xb5: {  	_ =	strace $0x90000048  }
0xb6: {  	_ =	sfence  }
0xb7: {  	s30 =	sld [smem:$0x0];
	_ =	sdelay $0x2  }
0xb8: {  	s31 =	sshll.u32 s1, $0xD;
	s1 =	sshrl.u32 s1, $0x2  }
0xb9: {  	s3 =	sand.u32 $0x4000, s31;
	s1 =	sadd.s32 s1, s30  }
0xba: {  	s0 =	sor.u32 s3, s0;
	s1 =	sshll.u32 s1, $0x11  }
0xbb: {  	s0 =	sor.u32 s1, s0  }
0xbc: {  	s0 =	sadd.s32 $0x8F2B, s0  }
0xbd: {  	[sflag:s0] =	ssyncadd.remote.s32 $0x1  }
0xbe: {  	_ =	sfence.sel $0xFFFF  }
0xbf: {  	[dreg:$0x0] =	wrdreg $0xFFFFFFFF;
	(pc) =	sbr.abs _section_cstart, $3  }
0xc0: {  	[dreg:$0x1] =	wrdreg $0xFFFFFFFF  }
0xc1: {  	_ =	task.clear_ibuf [dreg:s7], $0x2FFFF;
	_ =	strace $0x9FFFFFFF  }
0xc2: {  	(tm) =	ssettm $0x7FFFFFFF  }
0xc3: {  	_ =	shalt  }
tec
execute0_lowered:
.L_overlay_start_1:
0x0: {  	(tag) =	ssettag $0x1  }
0x1: {  	s3 =	rddreg [dreg:$0x0]  }
0x2: {  	s1 =	rddreg [dreg:$0x1]  }
0x3: {  	s0 =	rddreg [dreg:$0x2];
	s2 =	simm.s32 $0x0  }
0x4: {  	s4 =	srdreg.scid;
	s9 =	simm.s32 $0x1;
	s10 =	simm.s32 $0xCBA0  }
0x5: {  	s11 =	simm.s32 $0x0;
	[smem:$0x7FF] =	sst s2;
	s6 =	sand.u32 $0x1, s4  }
0x6: {  	s4 =	sadd.s32 $0x8800600, s3;
	s5 =	sadd.s32 $0x600, s3;
	s7 =	ssub.s32 $0x2, s6  }
0x7: {  	s3 =	stileid.u32;
	_ =	strace $0x80000047;
	s8 =	sshrl.u32 s7, $0x1  }
0x8: {  	s31 =	sshll.u32 s3, $0xA;
	s6 =	sshll.u32 s6, $0x9;
	s7 =	ssub.s32 s7, s8  }
0x9: {  	vm0 =	vmmov $0xffff;
	s6 =	sor.u32 s6, s31;
	s8 =	simm.s32 $0xE020;
	s7 =	smax.u32 s7, $0x1  }
.LBB2_1:
0xa: {  	[tilespmem:s8], [sflag:$0x1] =	stream.linear.gather [hbm4b:s5+s2], $0x1480, $0x38;
	[tilespmem:$0xF4A0] =	vst v63  }
0xb: {  	_ =	swait.ge [sflag:s9], $0x1480  }
0xc: {  	[sflag:s9] =	ssyncset.done $0x0  }
0xd: {  	s12 =	simm.s32 $0x0;
	[sflag:s9] =	ssyncadd.s32 $0xFFFFEB80  }
.LBB2_2:
0xe: {  	s13 =	sshll.u32 s12, $0x5  }
0xf: {  	s13 =	sadd.s32 s6, s13  }
0x10: {  	s14 =	smul.u32 $0x65D, s13;
	_ =	sdelay $0x1  }
0x11: {  	s14 =	sshrl.u32 s14, $0x3  }
0x12: {  	s14 =	sadd.s32 s4, s14  }
0x13: {  	[tilespmem:s2], [sflag:$0x1] =	stream.linear.gather [hbm4b:s14+s2], $0xCBA0, $0x38;
	[tilespmem:$0xF4A0] =	vst v63  }
0x14: {  	_ =	swait.ge [sflag:s9], $0xCBA0  }
0x15: {  	s15 =	simm.s32 $0xE040;
	[sflag:s9] =	ssyncset.done $0x0  }
0x16: {  	s16 =	simm.s32 $0xCBC0;
	s14 =	simm.s32 $0xFFFFFFFC;
	[sflag:s9] =	ssyncadd.s32 $0xFFFF3460  }
.LBB2_3:
0x17: {  	v0 =	vld [tilespmem:s15+$0xFFFFFFE0];
	_ =	sdelay $0x7  }
0x18: {  	v0 =	vld.idx.msk [tilespmem:v0+s2+$0x0], $0xffff;
	_ =	sdelay $0x4  }
0x19: {  	vm1 =	veq.f32 v0, v0  }
0x1a: {  	vm1 =	vmand vm1, vm0  }
0x1b: {  	v0 =	vnsel vm1, $0x0, v0  }
0x1c: {  	[tilespmem:s16+$0xFFFFFFE0] =	vst v0  }
0x1d: {  	v0 =	vld [tilespmem:s15+$0xFFFFFFF0];
	_ =	sdelay $0x7  }
0x1e: {  	v0 =	vld.idx.msk [tilespmem:v0+s2+$0x0], $0xffff;
	_ =	sdelay $0x4  }
0x1f: {  	vm1 =	veq.f32 v0, v0  }
0x20: {  	vm1 =	vmand vm1, vm0  }
0x21: {  	v0 =	vnsel vm1, $0x0, v0  }
0x22: {  	[tilespmem:s16+$0xFFFFFFF0] =	vst v0  }
0x23: {  	v0 =	vld [tilespmem:s15+$0x0];
	_ =	sdelay $0x7  }
0x24: {  	v0 =	vld.idx.msk [tilespmem:v0+s2+$0x0], $0xffff;
	_ =	sdelay $0x4  }
0x25: {  	vm1 =	veq.f32 v0, v0  }
0x26: {  	vm1 =	vmand vm1, vm0  }
0x27: {  	v0 =	vnsel vm1, $0x0, v0  }
0x28: {  	[tilespmem:s16+$0x0] =	vst v0  }
0x29: {  	v0 =	vld [tilespmem:s15+$0x10];
	_ =	sdelay $0x7  }
0x2a: {  	v0 =	vld.idx.msk [tilespmem:v0+s2+$0x0], $0xffff;
	_ =	sdelay $0x1  }
0x2b: {  	s14 =	sadd.s32 $0x4, s14  }
0x2c: {  	p0 =	slt.u32 s14, $0x144  }
.Ltmp0:
0x2d: {  	_ = 	snop;
	(pc) =	sbr.rel @p0 .LBB2_3-.Ltmp0, $4  }
0x2e: {  	vm1 =	veq.f32 v0, v0  }
0x2f: {  	vm1 =	vmand vm1, vm0  }
0x30: {  	v0 =	vnsel vm1, $0x0, v0  }
0x31: {  	s15 =	sadd.s32 $0x40, s15;
	[tilespmem:s16+$0x10] =	vst v0;
	s16 =	sadd.s32 $0x40, s16  }
0x32: {  	s13 =	smul.u32 $0xA4, s13  }
0x33: {  	s12 =	sadd.s32 $0x1, s12  }
0x34: {  	p0 =	sne.s32 s12, $0x10;
	s13 =	sshrl.u32 s13, $0x3  }
.Ltmp1:
0x35: {  	s13 =	sadd.s32 s1, s13;
	(pc) =	sbr.rel @p0 .LBB2_2-.Ltmp1, $4  }
0x36: {  	[hbm4b:s13+s2] =	stream.linear.scatter [tilespmem:s10], [sflag:$0x1], $0x1480, $0x38;
	[tilespmem:$0xF4A0] =	vst v63  }
0x37: {  	_ =	swait.ge [sflag:s9], $0x1480  }
0x38: {  	[sflag:s9] =	ssyncset.done $0x0  }
0x39: {  	[sflag:s9] =	ssyncadd.s32 $0xFFFFEB80  }
0x3a: {  	s11 =	sadd.s32 $0x1, s11  }
0x3b: {  	p0 =	sne.s32 s11, s7  }
.Ltmp2:
0x3c: {  	_ = 	snop;
	(pc) =	sbr.rel @p0 .LBB2_1-.Ltmp2, $1  }
0x3d: {  	_ =	sdelay $0x3  }
0x3e: {  	_ =	sfence.sel $0x180000  }
0x3f: {  	[bflag:$0x0] =	sbarrier.arrive $0xFFFF  }
0x40: {  	p0 =	sne.s32 s3, $0x0;
	_ =	strace $0x90000047  }
0x41: {  	s0 =	sadd.s32 @!p0 $0x100000, s0;
	[bflag:$0x2] =	sbarrier.arrive $0xFFFF  }
0x42: {  	[sflag:s0] =	ssyncadd.tile.s32 @!p0 $0x1;
	_ =	shalt  }
.Lfunc_end2:
_tile_overlayer_lowered:
.L_overlay_start_2:
0x43: {  	(tag) =	ssettag $0x2  }
0x44: {  	s0 =	rddreg [dreg:$0x0];
	s2 =	stileid.u32  }
0x45: {  	s1 =	rddreg [dreg:$0x1];
	p0 =	sne.s32 s2, $0x0  }
0x46: {  	s3 =	rddreg [dreg:$0x2];
	[bflag:$0x3] =	sbarrier.arrive $0xFFFF;
	s2 =	simm.s32 @!p0 $0x1C01  }
0x47: {  	[timem:s3], [sflag:s2] =	dma.local @!p0 [hbm:s0], s1  }
0x48: {  	s0 =	simm.s32 @!p0 $0x1  }
0x49: {  	_ =	swait.ge @!p0 [sflag:s0], s1  }
0x4a: {  	s1 =	ssub.s32 @!p0 $0x0, s1;
	[sflag:s0] =	ssyncset.done @!p0 $0x0  }
0x4b: {  	[sflag:s0] =	ssyncadd.s32 @!p0 s1  }
0x4c: {  	[bflag:$0x3] =	sbarrier.arrive $0xFFFF  }
0x4d: {  	_ =	shalt  }

</sc_bundles>
